<compile_context>
chip_gen: v7x
topology: tpu7x:2x2x1
jax: 0.10.2.dev20260603
libtpu: 0.0.44.dev20260713+nightly
codegen_flags: <defaults>
</compile_context>

<pallas_src>
import functools

import jax
import jax.numpy as jnp
from jax import lax
from jax.experimental import pallas as pl
from jax.experimental.pallas import tpu as pltpu
from jax.experimental.pallas import tpu_sc as plsc

NUM_CORES = 2
NUM_SUBCORES = 16
NUM_WORKERS = NUM_CORES * NUM_SUBCORES
LANES = 16


def _build(B, D):
    b_per_w = B // NUM_WORKERS
    mesh = plsc.VectorSubcoreMesh(
        core_axis_name="c", subcore_axis_name="s", num_cores=NUM_CORES
    )

    @functools.partial(
        pl.kernel,
        out_type=jax.ShapeDtypeStruct((B,), jnp.float32),
        mesh=mesh,
        compiler_params=pltpu.CompilerParams(
            needs_layout_passes=False, use_tc_tiling_on_sc=False),
        scratch_types=[
            pltpu.VMEM((b_per_w,), jnp.int32),
            pltpu.VMEM((b_per_w,), jnp.int32),
            pltpu.VMEM((b_per_w, D), jnp.float32),
            pltpu.VMEM((b_per_w, D), jnp.float32),
            pltpu.VMEM((b_per_w,), jnp.float32),
            pltpu.VMEM((b_per_w,), jnp.float32),
            pltpu.VMEM((LANES,), jnp.float32),
            pltpu.VMEM((b_per_w,), jnp.float32),
            pltpu.SemaphoreType.DMA,
        ],
    )
    def mf_kernel(user_hbm, item_hbm, uemb_hbm, iemb_hbm, ubiasT_hbm,
                  ibiasT_hbm, gbias_hbm, out_hbm,
                  uidx_v, iidx_v, urows_v, irows_v, ubias_v, ibias_v,
                  gbias_v, out_v, sem):
        wid = lax.axis_index("s") * NUM_CORES + lax.axis_index("c")
        base = wid * b_per_w

        pltpu.sync_copy(user_hbm.at[pl.ds(base, b_per_w)], uidx_v)
        pltpu.sync_copy(item_hbm.at[pl.ds(base, b_per_w)], iidx_v)
        pltpu.sync_copy(gbias_hbm, gbias_v)

        copies = [
            pltpu.async_copy(uemb_hbm.at[uidx_v], urows_v, sem),
            pltpu.async_copy(iemb_hbm.at[iidx_v], irows_v, sem),
            pltpu.async_copy(ubiasT_hbm.at[0].at[uidx_v], ubias_v, sem),
            pltpu.async_copy(ibiasT_hbm.at[0].at[iidx_v], ibias_v, sem),
        ]
        for c in copies:
            c.wait()

        gsplat = gbias_v[...]
        iota16 = lax.iota(jnp.int32, LANES)
        n_chunks = b_per_w // LANES

        def chunk_body(j, carry):
            sl = pl.ds(j * LANES, LANES)
            rows = j * LANES + iota16
            acc0 = gsplat + ubias_v[sl] + ibias_v[sl]

            def dim_body(d, acc):
                cols = jnp.full((LANES,), 0, jnp.int32) + d
                uv = plsc.load_gather(urows_v, [rows, cols])
                iv = plsc.load_gather(irows_v, [rows, cols])
                return acc + uv * iv

            out_v[sl] = lax.fori_loop(0, D, dim_body, acc0)
            return carry

        lax.fori_loop(0, n_chunks, chunk_body, 0)
        pltpu.sync_copy(out_v, out_hbm.at[pl.ds(base, b_per_w)])

    return mf_kernel


def kernel(user, item, user_emb, item_emb, user_bias, item_bias, global_bias):
    B = user.shape[0]
    D = user_emb.shape[1]
    mf = _build(B, D)
    gb16 = jnp.broadcast_to(global_bias.reshape(()), (LANES,))
    nu = user_emb.shape[0] - 1
    ni = item_emb.shape[0] - 1
    return mf(user.astype(jnp.int32), item.astype(jnp.int32),
              user_emb[:nu], item_emb[:ni], user_bias.T, item_bias.T, gb16)

# --- scband reference (transcript-rebuilt; emitter-appended) ---
"""Pipeline reference for scband-matrix-factorization-15264313770329 (READ-ONLY COPY).

The authoritative reference and input builder live on the scoring server;
editing this copy changes nothing except your own understanding.
"""

import jax, jax.numpy as jnp
import numpy as np

NUM_USERS = 1000000
NUM_ITEMS = 100000
EMBED_DIM = 64
BATCH = 16384


def setup_inputs(seed: int = 0) -> dict:
    key = jax.random.key(seed)
    k_u, k_i, k_ue, k_ie, k_ub, k_ib = jax.random.split(key, 6)
    user = jax.random.randint(k_u, (BATCH,), 0, NUM_USERS, dtype=jnp.int64 if jax.config.jax_enable_x64 else jnp.int32)
    item = jax.random.randint(k_i, (BATCH,), 0, NUM_ITEMS, dtype=jnp.int64 if jax.config.jax_enable_x64 else jnp.int32)
    user_emb = jax.random.normal(k_ue, (NUM_USERS + 1, EMBED_DIM), dtype=jnp.float32)
    item_emb = jax.random.normal(k_ie, (NUM_ITEMS + 1, EMBED_DIM), dtype=jnp.float32)
    user_bias = jax.random.normal(k_ub, (NUM_USERS + 1, 1), dtype=jnp.float32)
    item_bias = jax.random.normal(k_ib, (NUM_ITEMS + 1, 1), dtype=jnp.float32)
    global_bias = jnp.zeros((1,), dtype=jnp.float32)
    return {
        "user": user,
        "item": item,
        "user_emb": user_emb,
        "item_emb": item_emb,
        "user_bias": user_bias,
        "item_bias": item_bias,
        "global_bias": global_bias,
    }


def reference(user, item, user_emb, item_emb, user_bias, item_bias, global_bias):
    u = jnp.take(user_emb, user, axis=0)            # [B, D]
    i = jnp.take(item_emb, item, axis=0)            # [B, D]
    dot = jnp.sum(u * i, axis=1)                    # [B]
    bu = jnp.take(user_bias, user, axis=0).squeeze(-1)  # [B]
    bi = jnp.take(item_bias, item, axis=0).squeeze(-1)  # [B]
    return global_bias + bu + bi + dot              # [B]

if __name__ == "__main__":
    import jax
    _d = setup_inputs()
    print(jax.jit(kernel)(*tuple(_d.values())))

</pallas_src>

<mosaic_0001>
#map = affine_map<(d0, d1) -> (0)>
#map1 = affine_map<(d0, d1) -> (0, 0)>
module attributes {stable_mosaic.version = 14 : i64} {
  func.func @mf_kernel(%arg0: i32, %arg1: i32, %arg2: memref<16384xi32, #tpu.memory_space<hbm>>, %arg3: memref<16384xi32, #tpu.memory_space<hbm>>, %arg4: memref<1000000x64xf32, #tpu.memory_space<hbm>>, %arg5: memref<100000x64xf32, #tpu.memory_space<hbm>>, %arg6: memref<1x1000001xf32, #tpu.memory_space<hbm>>, %arg7: memref<1x100001xf32, #tpu.memory_space<hbm>>, %arg8: memref<16xf32, #tpu.memory_space<hbm>>, %arg9: memref<16384xf32, #tpu.memory_space<hbm>>, %arg10: memref<512xi32, #tpu.memory_space<vmem>>, %arg11: memref<512xi32, #tpu.memory_space<vmem>>, %arg12: memref<512x64xf32, #tpu.memory_space<vmem>>, %arg13: memref<512x64xf32, #tpu.memory_space<vmem>>, %arg14: memref<512xf32, #tpu.memory_space<vmem>>, %arg15: memref<512xf32, #tpu.memory_space<vmem>>, %arg16: memref<16xf32, #tpu.memory_space<vmem>>, %arg17: memref<512xf32, #tpu.memory_space<vmem>>, %arg18: memref<!tpu.dma_semaphore, #tpu.memory_space<semaphore_mem>>) attributes {dimension_semantics = [#tpu.dimension_semantics<core_parallel>, #tpu.dimension_semantics<subcore_parallel>], iteration_bounds = array<i64: 2, 16>, scalar_prefetch = 0 : i64, scratch_operands = 9 : i64, tpu.core_type = #tpu.core_type<sc_vector_subcore>, window_params = [{transform_indices = #map}, {transform_indices = #map}, {transform_indices = #map1}, {transform_indices = #map1}, {transform_indices = #map1}, {transform_indices = #map1}, {transform_indices = #map}, {transform_indices = #map}]} {
    %mul3A = arith.constant 2 : i32
    %mul3A_0 = arith.muli %arg1, %mul3A : i32
    %add3A = arith.addi %mul3A_0, %arg0 : i32
    %mul3A_1 = arith.constant 512 : i32
    %mul3A_2 = arith.muli %add3A, %mul3A_1 : i32
    "tpu.region"() ({
      %run_scoped3A = tpu.sem_alloc : memref<!tpu.dma_semaphore, #tpu.memory_space<semaphore_mem>>
      %dma_start3A_43 = tpu.memref_slice %arg2[%mul3A_2] : memref<16384xi32, #tpu.memory_space<hbm>> -> memref<512xi32, #tpu.memory_space<hbm>>
      %dma_start3A_44 = tpu.memref_slice %arg2[%mul3A_2] : memref<16384xi32, #tpu.memory_space<hbm>> -> memref<512xi32, #tpu.memory_space<hbm>>
      tpu.enqueue_dma source(%dma_start3A_44 : memref<512xi32, #tpu.memory_space<hbm>>) target(%arg10 : memref<512xi32, #tpu.memory_space<vmem>>) target_semaphore(%run_scoped3A : memref<!tpu.dma_semaphore, #tpu.memory_space<semaphore_mem>>)
      %dma_wait3A_45 = tpu.memref_slice %arg2[%mul3A_2] : memref<16384xi32, #tpu.memory_space<hbm>> -> memref<512xi32, #tpu.memory_space<hbm>>
      %dma_wait3A_46 = tpu.memref_slice %arg2[%mul3A_2] : memref<16384xi32, #tpu.memory_space<hbm>> -> memref<512xi32, #tpu.memory_space<hbm>>
      tpu.wait_dma2 semaphore(%run_scoped3A : memref<!tpu.dma_semaphore, #tpu.memory_space<semaphore_mem>>) src(%dma_wait3A_46 : memref<512xi32, #tpu.memory_space<hbm>>) dst(%arg10 : memref<512xi32, #tpu.memory_space<vmem>>)
      tpu.yield
    }) : () -> ()
    "tpu.region"() ({
      %run_scoped3A = tpu.sem_alloc : memref<!tpu.dma_semaphore, #tpu.memory_space<semaphore_mem>>
      %dma_start3A_43 = tpu.memref_slice %arg3[%mul3A_2] : memref<16384xi32, #tpu.memory_space<hbm>> -> memref<512xi32, #tpu.memory_space<hbm>>
      %dma_start3A_44 = tpu.memref_slice %arg3[%mul3A_2] : memref<16384xi32, #tpu.memory_space<hbm>> -> memref<512xi32, #tpu.memory_space<hbm>>
      tpu.enqueue_dma source(%dma_start3A_44 : memref<512xi32, #tpu.memory_space<hbm>>) target(%arg11 : memref<512xi32, #tpu.memory_space<vmem>>) target_semaphore(%run_scoped3A : memref<!tpu.dma_semaphore, #tpu.memory_space<semaphore_mem>>)
      %dma_wait3A_45 = tpu.memref_slice %arg3[%mul3A_2] : memref<16384xi32, #tpu.memory_space<hbm>> -> memref<512xi32, #tpu.memory_space<hbm>>
      %dma_wait3A_46 = tpu.memref_slice %arg3[%mul3A_2] : memref<16384xi32, #tpu.memory_space<hbm>> -> memref<512xi32, #tpu.memory_space<hbm>>
      tpu.wait_dma2 semaphore(%run_scoped3A : memref<!tpu.dma_semaphore, #tpu.memory_space<semaphore_mem>>) src(%dma_wait3A_46 : memref<512xi32, #tpu.memory_space<hbm>>) dst(%arg11 : memref<512xi32, #tpu.memory_space<vmem>>)
      tpu.yield
    }) : () -> ()
    "tpu.region"() ({
      %run_scoped3A = tpu.sem_alloc : memref<!tpu.dma_semaphore, #tpu.memory_space<semaphore_mem>>
      tpu.enqueue_dma source(%arg8 : memref<16xf32, #tpu.memory_space<hbm>>) target(%arg16 : memref<16xf32, #tpu.memory_space<vmem>>) target_semaphore(%run_scoped3A : memref<!tpu.dma_semaphore, #tpu.memory_space<semaphore_mem>>)
      tpu.wait_dma2 semaphore(%run_scoped3A : memref<!tpu.dma_semaphore, #tpu.memory_space<semaphore_mem>>) src(%arg8 : memref<16xf32, #tpu.memory_space<hbm>>) dst(%arg16 : memref<16xf32, #tpu.memory_space<vmem>>)
      tpu.yield
    }) : () -> ()
    %dma_start3A = arith.constant 0 : i32
    %dma_start3A_3 = arith.constant 0 : i32
    %dma_start3A_4 = tpu.memref_slice %arg4[%dma_start3A, %dma_start3A_3] : memref<1000000x64xf32, #tpu.memory_space<hbm>> -> memref<1000000x64xf32, #tpu.memory_space<hbm>>
    tpu.enqueue_indirect_dma source(%dma_start3A_4 : memref<1000000x64xf32, #tpu.memory_space<hbm>>) target(%arg12 : memref<512x64xf32, #tpu.memory_space<vmem>>) offsets(%arg10 : memref<512xi32, #tpu.memory_space<vmem>>) semaphore(%arg18 : memref<!tpu.dma_semaphore, #tpu.memory_space<semaphore_mem>>)
    %dma_start3A_5 = arith.constant 0 : i32
    %dma_start3A_6 = arith.constant 0 : i32
    %dma_start3A_7 = tpu.memref_slice %arg5[%dma_start3A_5, %dma_start3A_6] : memref<100000x64xf32, #tpu.memory_space<hbm>> -> memref<100000x64xf32, #tpu.memory_space<hbm>>
    tpu.enqueue_indirect_dma source(%dma_start3A_7 : memref<100000x64xf32, #tpu.memory_space<hbm>>) target(%arg13 : memref<512x64xf32, #tpu.memory_space<vmem>>) offsets(%arg11 : memref<512xi32, #tpu.memory_space<vmem>>) semaphore(%arg18 : memref<!tpu.dma_semaphore, #tpu.memory_space<semaphore_mem>>)
    %dma_start3A_8 = arith.constant 0 : i32
    %dma_start3A_9 = arith.constant 0 : i32
    %dma_start3A_10 = tpu.memref_slice %arg6[%dma_start3A_8, %dma_start3A_9] : memref<1x1000001xf32, #tpu.memory_space<hbm>> -> memref<1x1000001xf32, #tpu.memory_space<hbm>>
    %dma_start3A_11 = tpu.memref_squeeze %dma_start3A_10 : memref<1x1000001xf32, #tpu.memory_space<hbm>> -> memref<1000001xf32, #tpu.memory_space<hbm>>
    %dma_start3A_12 = arith.constant 0 : i32
    %dma_start3A_13 = tpu.memref_slice %dma_start3A_11[%dma_start3A_12] : memref<1000001xf32, #tpu.memory_space<hbm>> -> memref<1000001xf32, #tpu.memory_space<hbm>>
    tpu.enqueue_indirect_dma source(%dma_start3A_13 : memref<1000001xf32, #tpu.memory_space<hbm>>) target(%arg14 : memref<512xf32, #tpu.memory_space<vmem>>) offsets(%arg10 : memref<512xi32, #tpu.memory_space<vmem>>) semaphore(%arg18 : memref<!tpu.dma_semaphore, #tpu.memory_space<semaphore_mem>>)
    %dma_start3A_14 = arith.constant 0 : i32
    %dma_start3A_15 = arith.constant 0 : i32
    %dma_start3A_16 = tpu.memref_slice %arg7[%dma_start3A_14, %dma_start3A_15] : memref<1x100001xf32, #tpu.memory_space<hbm>> -> memref<1x100001xf32, #tpu.memory_space<hbm>>
    %dma_start3A_17 = tpu.memref_squeeze %dma_start3A_16 : memref<1x100001xf32, #tpu.memory_space<hbm>> -> memref<100001xf32, #tpu.memory_space<hbm>>
    %dma_start3A_18 = arith.constant 0 : i32
    %dma_start3A_19 = tpu.memref_slice %dma_start3A_17[%dma_start3A_18] : memref<100001xf32, #tpu.memory_space<hbm>> -> memref<100001xf32, #tpu.memory_space<hbm>>
    tpu.enqueue_indirect_dma source(%dma_start3A_19 : memref<100001xf32, #tpu.memory_space<hbm>>) target(%arg15 : memref<512xf32, #tpu.memory_space<vmem>>) offsets(%arg11 : memref<512xi32, #tpu.memory_space<vmem>>) semaphore(%arg18 : memref<!tpu.dma_semaphore, #tpu.memory_space<semaphore_mem>>)
    %dma_wait3A = arith.constant 0 : i32
    %dma_wait3A_20 = arith.constant 0 : i32
    %dma_wait3A_21 = tpu.memref_slice %arg4[%dma_wait3A, %dma_wait3A_20] : memref<1000000x64xf32, #tpu.memory_space<hbm>> -> memref<1000000x64xf32, #tpu.memory_space<hbm>>
    tpu.wait_indirect_dma semaphore(%arg18 : memref<!tpu.dma_semaphore, #tpu.memory_space<semaphore_mem>>) src(%dma_wait3A_21 : memref<1000000x64xf32, #tpu.memory_space<hbm>>) dst(%arg12 : memref<512x64xf32, #tpu.memory_space<vmem>>)
    %dma_wait3A_22 = arith.constant 0 : i32
    %dma_wait3A_23 = arith.constant 0 : i32
    %dma_wait3A_24 = tpu.memref_slice %arg5[%dma_wait3A_22, %dma_wait3A_23] : memref<100000x64xf32, #tpu.memory_space<hbm>> -> memref<100000x64xf32, #tpu.memory_space<hbm>>
    tpu.wait_indirect_dma semaphore(%arg18 : memref<!tpu.dma_semaphore, #tpu.memory_space<semaphore_mem>>) src(%dma_wait3A_24 : memref<100000x64xf32, #tpu.memory_space<hbm>>) dst(%arg13 : memref<512x64xf32, #tpu.memory_space<vmem>>)
    %dma_wait3A_25 = arith.constant 0 : i32
    %dma_wait3A_26 = arith.constant 0 : i32
    %dma_wait3A_27 = tpu.memref_slice %arg6[%dma_wait3A_25, %dma_wait3A_26] : memref<1x1000001xf32, #tpu.memory_space<hbm>> -> memref<1x1000001xf32, #tpu.memory_space<hbm>>
    %dma_wait3A_28 = tpu.memref_squeeze %dma_wait3A_27 : memref<1x1000001xf32, #tpu.memory_space<hbm>> -> memref<1000001xf32, #tpu.memory_space<hbm>>
    %dma_wait3A_29 = arith.constant 0 : i32
    %dma_wait3A_30 = tpu.memref_slice %dma_wait3A_28[%dma_wait3A_29] : memref<1000001xf32, #tpu.memory_space<hbm>> -> memref<1000001xf32, #tpu.memory_space<hbm>>
    tpu.wait_indirect_dma semaphore(%arg18 : memref<!tpu.dma_semaphore, #tpu.memory_space<semaphore_mem>>) src(%dma_wait3A_30 : memref<1000001xf32, #tpu.memory_space<hbm>>) dst(%arg14 : memref<512xf32, #tpu.memory_space<vmem>>)
    %dma_wait3A_31 = arith.constant 0 : i32
    %dma_wait3A_32 = arith.constant 0 : i32
    %dma_wait3A_33 = tpu.memref_slice %arg7[%dma_wait3A_31, %dma_wait3A_32] : memref<1x100001xf32, #tpu.memory_space<hbm>> -> memref<1x100001xf32, #tpu.memory_space<hbm>>
    %dma_wait3A_34 = tpu.memref_squeeze %dma_wait3A_33 : memref<1x100001xf32, #tpu.memory_space<hbm>> -> memref<100001xf32, #tpu.memory_space<hbm>>
    %dma_wait3A_35 = arith.constant 0 : i32
    %dma_wait3A_36 = tpu.memref_slice %dma_wait3A_34[%dma_wait3A_35] : memref<100001xf32, #tpu.memory_space<hbm>> -> memref<100001xf32, #tpu.memory_space<hbm>>
    tpu.wait_indirect_dma semaphore(%arg18 : memref<!tpu.dma_semaphore, #tpu.memory_space<semaphore_mem>>) src(%dma_wait3A_36 : memref<100001xf32, #tpu.memory_space<hbm>>) dst(%arg15 : memref<512xf32, #tpu.memory_space<vmem>>)
    %get3A = arith.constant 0 : index
    %get3A_37 = tpu.vector_load %arg16[%get3A] {strides = array<i32>} : memref<16xf32, #tpu.memory_space<vmem>>, vector<16xf32>,
    %iota3A = tpu.iota {dimensions = array<i32: 0>} : vector<16xi32>
    %scan3A = arith.constant 0 : i32
    %scan3A_38 = arith.constant 0 : i32
    %scan3A_39 = arith.constant 32 : i32
    %scan3A_40 = arith.addi %scan3A_38, %scan3A_39 : i32
    %scan3A_41 = arith.constant 1 : i32
    scf.for %scan3A_43 = %scan3A_38 to %scan3A_40 step %scan3A_41  : i32 {
      %mul3A_44 = arith.constant 16 : i32
      %mul3A_45 = arith.muli %scan3A_43, %mul3A_44 : i32
      %mul3A_46 = arith.constant 16 : i32
      %mul3A_47 = arith.muli %scan3A_43, %mul3A_46 : i32
      %add3A_48 = vector.broadcast %mul3A_47 : i32 to vector<16xi32>
      %add3A_49 = arith.addi %add3A_48, %iota3A : vector<16xi32>
      %get3A_50 = arith.index_cast %mul3A_45 : i32 to index
      %get3A_51 = tpu.vector_load %arg14[%get3A_50] {strides = array<i32>} : memref<512xf32, #tpu.memory_space<vmem>>, vector<16xf32>,
      %add3A_52 = arith.addf %get3A_37, %get3A_51 : vector<16xf32>
      %get3A_53 = arith.index_cast %mul3A_45 : i32 to index
      %get3A_54 = tpu.vector_load %arg15[%get3A_53] {strides = array<i32>} : memref<512xf32, #tpu.memory_space<vmem>>, vector<16xf32>,
      %add3A_55 = arith.addf %add3A_52, %get3A_54 : vector<16xf32>
      %scan3A_56 = arith.constant 0 : i32
      %scan3A_57 = arith.constant 64 : i32
      %scan3A_58 = arith.addi %scan3A_56, %scan3A_57 : i32
      %scan3A_59 = arith.constant 1 : i32
      %scan3A_60 = scf.for %scan3A_63 = %scan3A_56 to %scan3A_58 step %scan3A_59 iter_args(%scan3A_64 = %add3A_55) -> (vector<16xf32>)  : i32 {
        %broadcast_in_dim3A = arith.constant 0 : i32
        %broadcast_in_dim3A_65 = vector.broadcast %broadcast_in_dim3A : i32 to vector<16xi32>
        %add3A_66 = vector.broadcast %scan3A_63 : i32 to vector<16xi32>
        %add3A_67 = arith.addi %broadcast_in_dim3A_65, %add3A_66 : vector<16xi32>
        %gather3A = tpu.vector_load_idx %arg12[%add3A_49, %add3A_67] : memref<512x64xf32, #tpu.memory_space<vmem>>[vector<16xi32>, vector<16xi32>], vector<16xf32>,
        %gather3A_68 = tpu.vector_load_idx %arg13[%add3A_49, %add3A_67] : memref<512x64xf32, #tpu.memory_space<vmem>>[vector<16xi32>, vector<16xi32>], vector<16xf32>,
        %mul3A_69 = arith.mulf %gather3A, %gather3A_68 : vector<16xf32>
        %add3A_70 = arith.addf %scan3A_64, %mul3A_69 : vector<16xf32>
        scf.yield %add3A_70 : vector<16xf32>
      }
      %scan3A_61 = arith.constant 64 : i32
      %swap3A = arith.index_cast %mul3A_45 : i32 to index
      %swap3A_62 = tpu.vector_load %arg17[%swap3A] {strides = array<i32>} : memref<512xf32, #tpu.memory_space<vmem>>, vector<16xf32>,
      tpu.vector_store %arg17[%swap3A], %scan3A_60 {strides = array<i32>} : memref<512xf32, #tpu.memory_space<vmem>>, vector<16xf32>,
    }
    %scan3A_42 = arith.constant 32 : i32
    "tpu.region"() ({
      %run_scoped3A = tpu.sem_alloc : memref<!tpu.dma_semaphore, #tpu.memory_space<semaphore_mem>>
      %dma_start3A_43 = tpu.memref_slice %arg9[%mul3A_2] : memref<16384xf32, #tpu.memory_space<hbm>> -> memref<512xf32, #tpu.memory_space<hbm>>
      %dma_start3A_44 = tpu.memref_slice %arg9[%mul3A_2] : memref<16384xf32, #tpu.memory_space<hbm>> -> memref<512xf32, #tpu.memory_space<hbm>>
      tpu.enqueue_dma source(%arg17 : memref<512xf32, #tpu.memory_space<vmem>>) target(%dma_start3A_44 : memref<512xf32, #tpu.memory_space<hbm>>) target_semaphore(%run_scoped3A : memref<!tpu.dma_semaphore, #tpu.memory_space<semaphore_mem>>)
      %dma_wait3A_45 = tpu.memref_slice %arg9[%mul3A_2] : memref<16384xf32, #tpu.memory_space<hbm>> -> memref<512xf32, #tpu.memory_space<hbm>>
      %dma_wait3A_46 = tpu.memref_slice %arg9[%mul3A_2] : memref<16384xf32, #tpu.memory_space<hbm>> -> memref<512xf32, #tpu.memory_space<hbm>>
      tpu.wait_dma2 semaphore(%run_scoped3A : memref<!tpu.dma_semaphore, #tpu.memory_space<semaphore_mem>>) src(%arg17 : memref<512xf32, #tpu.memory_space<vmem>>) dst(%dma_wait3A_46 : memref<512xf32, #tpu.memory_space<hbm>>)
      tpu.yield
    }) : () -> ()
    return
  }
}

</mosaic_0001>

<sc_bundles>
// kernel: kernel.3.cloned.1.call-start
scs
__scs_entry_jumppad:
0x0: {  	(pc) =	sbr.rel $0x88, $3  }
0x1: {  	(tag) =	ssettag $0x0;
	lr =	simm.s32 $0x1  }
0x2: {  	[smem:$0x3F9A] =	sst lr;
	_ =	strace $0xD0000000  }
0x3: {  	_ = 	snop  }
0x4: {  	_ = 	snop  }
0x5: {  	_ = 	snop  }
0x6: {  	_ = 	snop  }
0x7: {  	_ = 	snop  }
__scs_overlays_trampoline_lowered:
0x8: {  	[smem:$0x3FA9] =	sst s0  }
0x9: {  	[smem:$0x3FAA] =	sst s1  }
0xa: {  	[smem:$0x3FAB] =	sst s2  }
0xb: {  	[smem:$0x3FAC] =	sst s3  }
0xc: {  	[smem:$0x3FAD] =	sst s4  }
0xd: {  	[smem:$0x3FAE] =	sst s5  }
0xe: {  	[smem:$0x3FAF] =	sst s6  }
0xf: {  	[smem:$0x3FB0] =	sst s7  }
0x10: {  	[smem:$0x3FB1] =	sst s8  }
0x11: {  	[smem:$0x3FB2] =	sst s9;
	s0 =	simm.s32 @!p0 $0x0  }
0x12: {  	s1 =	sld [smem:$0x3F98];
	s0 =	simm.s32 @p0 $0x1  }
0x13: {  	[smem:$0x3FB3] =	sst s0;
	s0 =	simm.s32 @!p1 $0x0  }
0x14: {  	s2 =	sld [smem:$0x3F97];
	s0 =	simm.s32 @p1 $0x1  }
0x15: {  	[smem:$0x3FB4] =	sst s0;
	s0 =	simm.s32 @!p2 $0x0  }
0x16: {  	s3 =	sld [smem:$0x3FDB];
	s0 =	simm.s32 @p2 $0x1  }
0x17: {  	s4 =	simm.s32 $0x1BF5;
	[smem:$0x3FB6] =	sst s0  }
0x18: {  	s0 =	sld [smem:$0x3F99];
	_ =	swait.ge [sflag:s4], $0x0  }
0x19: {  	s7 =	sld [smem:$0x3F9A]  }
0x1a: {  	s8 =	sadd.s32 $0xFFFFE003, lr  }
0x1b: {  	s9 =	sadd.s32 $0xFFFFFEF7, lr;
	s5 =	simm.s32 $0xFFFFFFFF;
	p2 =	slt.u32 s8, $0xFFFFF086  }
0x1c: {  	p1 =	slt.u32 s9, $0xF7A;
	s5 =	simm.s32 @!p2 $0x0  }
0x1d: {  	s5 =	simm.s32 @p1 $0x1;
	p0 =	seq.s32 s7, s2  }
0x1e: {  	s7 =	smul.u32 @!p0 $0xF7A, s2;
	p2 =	seq.s32 @!p0 s5, $0x0  }
0x1f: {  	s9 =	smul.u32 $0xF7A, s1;
	s8 =	simm.s32 @!p0 $0x1BF5;
	p2 =	por !p2, p0  }
0x20: {  	[sflag:s8] =	ssyncset.s32 @!p0 $0xFFFFF086;
	s6 =	sadd.s32 @!p0 s3, s7;
	s7 =	simm.s32 @!p0 $0x108  }
0x21: {  	s3 =	sadd.s32 s3, s9;
	s6 =	sadd.s32 @!p0 $0x88, s6;
	s7 =	simm.s32 @p2 $0x1082  }
0x22: {  	[simem:s7], [sflag:s8] =	dma.local @!p0 [hbm:s6], $0xF7A  }
0x23: {  	s9 =	sor.u32 $0xD0000000, s2;
	s6 =	simm.s32 $0x108;
	_ =	swait.ge @!p0 [sflag:s8], $0x0  }
0x24: {  	s3 =	sadd.s32 $0x88, s3;
	s6 =	simm.s32 @!p1 $0x1082;
	[sflag:s4] =	ssyncset.s32 $0xFFFFF086  }
0x25: {  	[simem:s6], [sflag:s4] =	dma.local [hbm:s3], $0xF7A  }
0x26: {  	[smem:$0x3F9A] =	sst s1;
	(tag) =	ssettag s2;
	_ =	strace s9  }
0x27: {  	s1 =	sld [smem:$0x3FAA]  }
0x28: {  	s2 =	sld [smem:$0x3FAB]  }
0x29: {  	s4 =	sld [smem:$0x3FAD]  }
0x2a: {  	p0 =	seq.s32 s5, $0x0;
	s5 =	sld [smem:$0x3FAE]  }
0x2b: {  	s6 =	sld [smem:$0x3FAF]  }
0x2c: {  	s7 =	sld [smem:$0x3FB0]  }
0x2d: {  	s3 =	simm.s32 $0x108;
	s8 =	sld [smem:$0x3FB1]  }
0x2e: {  	s3 =	simm.s32 @!p0 $0x1082;
	s9 =	sld [smem:$0x3FB2]  }
0x2f: {  	lr =	sadd.s32 s0, s3;
	s0 =	sld [smem:$0x3FA9]  }
0x30: {  	s3 =	sld [smem:$0x3FAC]  }
0x31: {  	[smem:$0x3FB5] =	sst s10  }
0x32: {  	s10 =	sld [smem:$0x3FB3];
	_ =	sdelay $0x3  }
0x33: {  	p0 =	seq.s32 s10, $0x1;
	s10 =	sld [smem:$0x3FB5];
	_ =	sdelay $0x3  }
0x34: {  	[smem:$0x3FB5] =	sst s10  }
0x35: {  	s10 =	sld [smem:$0x3FB4];
	_ =	sdelay $0x3  }
0x36: {  	p1 =	seq.s32 s10, $0x1;
	s10 =	sld [smem:$0x3FB5];
	_ =	sdelay $0x3  }
0x37: {  	[smem:$0x3FB5] =	sst s10  }
0x38: {  	s10 =	sld [smem:$0x3FB6]  }
0x39: {  	_ = 	snop;
	(pc) =	sbr.ind lr, $3  }
0x3a: {  	_ = 	snop  }
0x3b: {  	_ = 	snop  }
0x3c: {  	p2 =	seq.s32 s10, $0x1;
	s10 =	sld [smem:$0x3FB5]  }
0x3d: {  	_ =	shalt  }
0x3e: {  	_ =	shalt  }
0x3f: {  	_ =	shalt  }
0x40: {  	_ =	shalt  }
0x41: {  	_ =	shalt  }
0x42: {  	_ =	shalt  }
0x43: {  	_ =	shalt  }
0x44: {  	_ =	shalt  }
0x45: {  	_ =	shalt  }
0x46: {  	_ =	shalt  }
0x47: {  	_ =	shalt  }
0x48: {  	_ =	shalt  }
0x49: {  	_ =	shalt  }
0x4a: {  	_ =	shalt  }
0x4b: {  	_ =	shalt  }
0x4c: {  	_ =	shalt  }
0x4d: {  	_ =	shalt  }
0x4e: {  	_ =	shalt  }
0x4f: {  	_ =	shalt  }
0x50: {  	_ =	shalt  }
0x51: {  	_ =	shalt  }
0x52: {  	_ =	shalt  }
0x53: {  	_ =	shalt  }
0x54: {  	_ =	shalt  }
0x55: {  	_ =	shalt  }
0x56: {  	_ =	shalt  }
0x57: {  	_ =	shalt  }
0x58: {  	_ =	shalt  }
0x59: {  	_ =	shalt  }
0x5a: {  	_ =	shalt  }
0x5b: {  	_ =	shalt  }
0x5c: {  	_ =	shalt  }
0x5d: {  	_ =	shalt  }
0x5e: {  	_ =	shalt  }
0x5f: {  	_ =	shalt  }
0x60: {  	_ =	shalt  }
0x61: {  	_ =	shalt  }
0x62: {  	_ =	shalt  }
0x63: {  	_ =	shalt  }
0x64: {  	_ =	shalt  }
0x65: {  	_ =	shalt  }
0x66: {  	_ =	shalt  }
0x67: {  	_ =	shalt  }
0x68: {  	_ =	shalt  }
0x69: {  	_ =	shalt  }
0x6a: {  	_ =	shalt  }
0x6b: {  	_ =	shalt  }
0x6c: {  	_ =	shalt  }
0x6d: {  	_ =	shalt  }
0x6e: {  	_ =	shalt  }
0x6f: {  	_ =	shalt  }
0x70: {  	_ =	shalt  }
0x71: {  	_ =	shalt  }
0x72: {  	_ =	shalt  }
0x73: {  	_ =	shalt  }
0x74: {  	_ =	shalt  }
0x75: {  	_ =	shalt  }
0x76: {  	_ =	shalt  }
0x77: {  	_ =	shalt  }
0x78: {  	_ =	shalt  }
0x79: {  	_ =	shalt  }
0x7a: {  	_ =	shalt  }
0x7b: {  	_ =	shalt  }
0x7c: {  	_ =	shalt  }
0x7d: {  	_ =	shalt  }
0x7e: {  	_ =	shalt  }
0x7f: {  	_ =	shalt  }
0x80: {  	_ =	shalt  }
0x81: {  	_ =	shalt  }
0x82: {  	_ =	shalt  }
0x83: {  	_ =	shalt  }
0x84: {  	_ =	shalt  }
0x85: {  	_ =	shalt  }
0x86: {  	_ =	shalt  }
0x87: {  	_ =	shalt  }
.Lfunc_end0:
.L_simem_size_0:
called_computation.1_lowered:
.L_overlay_start_0:
0x88: {  	s2 =	sld [smem:$0x3FD9]  }
0x89: {  	s3 =	sld [smem:$0x3FFE];
	_ =	sdelay $0x1  }
0x8a: {  	s1 =	srdreg.scid  }
0x8b: {  	s0 =	sand.u32 $0x1, s1  }
0x8c: {  	s17 =	sshll.u32 s0, $0xA;
	s2 =	sadd.s32 s3, s2  }
0x8d: {  	s2 =	sadd.s32 s2, s17  }
0x8e: {  	[smem:$0x3FC1] =	sst s2  }
0x8f: {  	_ = 	snop  }
0x90: {  	s2 =	sld [smem:$0x3FC9]  }
0x91: {  	s18 =	sld [smem:$0x3FC8]  }
0x92: {  	s4 =	sld [smem:$0x3FD0];
	(tm) =	ssettm $0x1  }
0x93: {  	s5 =	sld [smem:$0x3FFB];
	_ =	sdelay $0x3  }
0x94: {  	_ =	strace s5  }
0x95: {  	s5 =	sld [smem:$0x3FFC];
	_ =	sdelay $0x3  }
0x96: {  	_ =	strace s5  }
0x97: {  	s5 =	sld [smem:$0x3FFD];
	_ =	sdelay $0x3  }
0x98: {  	_ =	strace s5  }
0x99: {  	_ =	strace $0x8FFFFFFF  }
0x9a: {  	s19 =	sld [smem:$0x3FDB];
	_ =	sdelay $0x1  }
0x9b: {  	s6 =	simm.s32 $_scs_section_size  }
0x9c: {  	s7 =	simm.s32 $_size__tile_overlayer_lowered;
	s8 =	simm.s32 $_tile_overlayer_lowered  }
0x9d: {  	s22 =	simm.s32 $0x1BFF;
	s21 =	sshll.u32 s8, $0x1;
	s5 =	sadd.s32 s6, s19  }
0x9e: {  	s9 =	simm.s32 $0x0;
	s20 =	sshll.u32 s7, $0x1;
	s7 =	sadd.s32 s21, s5  }
0x9f: {  	[timem:s9], [sflag:s22] =	dma.local [hbm:s7], s20  }
0xa0: {  	_ =	swait.ge [sflag:s22], s20  }
0xa1: {  	s6 =	ssub.s32 $0x0, s20;
	[sflag:s22] =	ssyncset.done $0x0  }
0xa2: {  	[sflag:s22] =	ssyncadd.s32 s6;
	_ =	sdelay $0x1  }
0xa3: {  	s23 =	simm.s32 $0x1B8B  }
0xa4: {  	_ =	swait.ge [sflag:s23], $0x1  }
0xa5: {  	[sflag:s23] =	ssyncset.done $0x0  }
0xa6: {  	s25 =	simm.s32 $0x1B8E;
	s24 =	sld [smem:$0x3FFE];
	[sflag:s23] =	ssyncadd.s32 $0xFFFFFFFF  }
0xa7: {  	s26 =	simm.s32 $execute0_lowered;
	[smem:$0x3FD2] =	sst s25  }
0xa8: {  	s7 =	sshll.u32 s26, $0x1;
	_ =	strace $0x80000049;
	[dreg:$0x1] =	wrdreg $0xFFFFFFFF  }
0xa9: {  	s28 =	simm.s32 $_size_execute0_lowered;
	s5 =	sadd.s32 s5, s7;
	[dreg:$0x0] =	wrdreg $0x0  }
0xaa: {  	s7 =	sshll.u32 s28, $0x1;
	[dreg:$0x2] =	wrdreg s5  }
0xab: {  	[dreg:$0x3] =	wrdreg s7  }
0xac: {  	[dreg:$0x4] =	wrdreg $0xC0  }
0xad: {  	_ =	task [dreg:s9], $0x5FFFF  }
0xae: {  	[dreg:$0x1] =	wrdreg $0xFFFFFFFF  }
0xaf: {  	[dreg:$0x0] =	wrdreg $0x60  }
0xb0: {  	[dreg:$0x2] =	wrdreg s2  }
0xb1: {  	[dreg:$0x3] =	wrdreg s18  }
0xb2: {  	[dreg:$0x4] =	wrdreg s24  }
0xb3: {  	[dreg:$0x5] =	wrdreg s4  }
0xb4: {  	[dreg:$0x6] =	wrdreg $0x9  }
0xb5: {  	_ =	task.clear_ibuf [dreg:s9], $0x7FFFF;
	_ =	strace $0x90000049  }
0xb6: {  	s29 =	simm.s32 $0x9;
	_ =	strace $0x8000004B  }
0xb7: {  	_ =	swait.ge [sflag:s29], $0x1  }
0xb8: {  	[sflag:s29] =	ssyncadd.s32 $0xFFFFFFFF  }
0xb9: {  	_ =	strace $0x9000004B  }
0xba: {  	_ =	sfence  }
0xbb: {  	s30 =	sld [smem:$0x0];
	_ =	sdelay $0x2  }
0xbc: {  	s31 =	sshll.u32 s1, $0xD;
	s1 =	sshrl.u32 s1, $0x2  }
0xbd: {  	s3 =	sand.u32 $0x4000, s31;
	s1 =	sadd.s32 s1, s30  }
0xbe: {  	s0 =	sor.u32 s3, s0;
	s1 =	sshll.u32 s1, $0x11  }
0xbf: {  	s0 =	sor.u32 s1, s0  }
0xc0: {  	s0 =	sadd.s32 $0x8F2B, s0  }
0xc1: {  	[sflag:s0] =	ssyncadd.remote.s32 $0x1  }
0xc2: {  	_ =	sfence.sel $0xFFFF  }
0xc3: {  	[dreg:$0x0] =	wrdreg $0xFFFFFFFF;
	(pc) =	sbr.abs _section_cstart, $3  }
0xc4: {  	[dreg:$0x1] =	wrdreg $0xFFFFFFFF  }
0xc5: {  	_ =	task.clear_ibuf [dreg:s9], $0x2FFFF;
	_ =	strace $0x9FFFFFFF  }
0xc6: {  	(tm) =	ssettm $0x7FFFFFFF  }
0xc7: {  	_ =	shalt  }
tec
execute0_lowered:
.L_overlay_start_1:
0x0: {  	(tag) =	ssettag $0x1  }
0x1: {  	s8 =	rddreg [dreg:$0x0]  }
0x2: {  	s9 =	rddreg [dreg:$0x1]  }
0x3: {  	s7 =	rddreg [dreg:$0x2]  }
0x4: {  	s10 =	rddreg [dreg:$0x3]  }
0x5: {  	s0 =	rddreg [dreg:$0x4];
	s1 =	simm.s32 $0x0  }
0x6: {  	s11 =	srdreg.scid;
	s3 =	stileid.u32;
	s15 =	simm.s32 $0x400  }
0x7: {  	s16 =	simm.s32 $0x8400;
	s17 =	simm.s32 $0x10400;
	s18 =	simm.s32 $0x10600  }
0x8: {  	s19 =	simm.s32 $0x1;
	s20 =	simm.s32 $0x10810;
	[smem:$0x7FF] =	sst s1  }
0x9: {  	s21 =	simm.s32 $0x0;
	s2 =	sadd.s32 $0x118C800, s7;
	s4 =	sadd.s32 $0x10C9200, s7  }
0xa: {  	s5 =	sadd.s32 $0xF45A00, s7;
	s6 =	sadd.s32 $0xF42800, s7;
	s11 =	sand.u32 $0x1, s11  }
0xb: {  	s13 =	sshll.u32 s3, $0x7;
	s7 =	sadd.s32 $0xF64400, s7;
	s12 =	ssub.s32 $0x2, s11  }
0xc: {  	_ =	strace $0x8000004A;
	s11 =	sshll.u32 s11, $0x6;
	s14 =	sshrl.u32 s12, $0x1  }
0xd: {  	s11 =	sor.u32 s11, s13;
	s13 =	simm.s32 $0x200;
	s12 =	ssub.s32 s12, s14  }
0xe: {  	v0 =	vlaneseq.u32;
	s8 =	sadd.s32 s8, s11;
	s9 =	sadd.s32 s9, s11;
	s10 =	sadd.s32 s10, s11  }
0xf: {  	v0 =	vmul.u32 $0x40, v0;
	s14 =	simm.s32 $0x10800;
	s11 =	smax.u32 s12, $0x1;
	s12 =	simm.s32 $0x2  }
.LBB2_1:
0x10: {  	[tilespmem:s1], [sflag:$0x2] =	stream.linear.gather [hbm4b:s8+s1], $0x200, $0x38;
	[tilespmem:$0x10A10] =	vst v63  }
0x11: {  	_ =	swait.ge [sflag:s12], $0x200  }
0x12: {  	[sflag:s12] =	ssyncset.done $0x0  }
0x13: {  	[sflag:s12] =	ssyncadd.s32 $0xFFFFFE00  }
0x14: {  	[tilespmem:s13], [sflag:$0x2] =	stream.linear.gather [hbm4b:s9+s1], $0x200, $0x38;
	[tilespmem:$0x10A10] =	vst v63  }
0x15: {  	_ =	swait.ge [sflag:s12], $0x200  }
0x16: {  	[sflag:s12] =	ssyncset.done $0x0  }
0x17: {  	[sflag:s12] =	ssyncadd.s32 $0xFFFFFE00  }
0x18: {  	[tilespmem:s14], [sflag:$0x2] =	stream.linear.gather [hbm4b:s7+s1], $0x10, $0x38;
	[tilespmem:$0x10A10] =	vst v63  }
0x19: {  	_ =	swait.ge [sflag:s12], $0x10  }
0x1a: {  	[sflag:s12] =	ssyncset.done $0x0  }
0x1b: {  	[sflag:s12] =	ssyncadd.s32 $0xFFFFFFF0  }
0x1c: {  	[tilespmem:s15], [sflag:$0x1] =	stream.indirect.gather [hbm4b:s2+s13], $0x40, s1, s13, $0xb8;
	[tilespmem:$0x10A10] =	vst v63  }
0x1d: {  	_ = 	snop  }
0x1e: {  	[tilespmem:s16], [sflag:$0x1] =	stream.indirect.gather [hbm4b:s4+s13], $0x40, s13, s13, $0xb8;
	[tilespmem:$0x10A10] =	vst v63  }
0x1f: {  	_ = 	snop  }
0x20: {  	[tilespmem:s17], [sflag:$0x1] =	stream.indirect.gather [hbm4b:s5+s13], $0x1, s1, s13, $0xb8;
	[tilespmem:$0x10A10] =	vst v63  }
0x21: {  	_ = 	snop  }
0x22: {  	[tilespmem:s18], [sflag:$0x1] =	stream.indirect.gather [hbm4b:s6+s13], $0x1, s13, s13, $0xb8;
	[tilespmem:$0x10A10] =	vst v63  }
0x23: {  	_ =	swait.ge [sflag:s19], $0x8000  }
0x24: {  	[sflag:s19] =	ssyncset.done $0x0  }
0x25: {  	[sflag:s19] =	ssyncadd.s32 $0xFFFF8000  }
0x26: {  	_ =	swait.ge [sflag:s19], $0x8000  }
0x27: {  	[sflag:s19] =	ssyncset.done $0x0  }
0x28: {  	[sflag:s19] =	ssyncadd.s32 $0xFFFF8000  }
0x29: {  	_ =	swait.ge [sflag:s19], $0x200  }
0x2a: {  	[sflag:s19] =	ssyncset.done $0x0  }
0x2b: {  	[sflag:s19] =	ssyncadd.s32 $0xFFFFFE00  }
0x2c: {  	_ =	swait.ge [sflag:s19], $0x200  }
0x2d: {  	[sflag:s19] =	ssyncset.done $0x0  }
0x2e: {  	[sflag:s19] =	ssyncadd.s32 $0xFFFFFE00  }
0x2f: {  	s22 =	simm.s32 $0x0;
	v1 =	vld [tilespmem:$0x10800]  }
.LBB2_2:
0x30: {  	s24 =	simm.s32 $0x0  }
0x31: {  	s23 =	sshll.u32 s22, $0x4;
	v2 =	vmov s24  }
0x32: {  	v3 =	vmov s23;
	v2 =	vand.u32 $0x3F, v2  }
0x33: {  	v3 =	vshll.u32 v3, $0x6;
	v4 =	vbroadcast v2, $0x0  }
0x34: {  	v2 =	vor.u32 v0, v3  }
0x35: {  	s30 =	simm.s32 $0x1;
	v3 =	vor.u32 v2, v4  }
0x36: {  	v4 =	vmov s30  }
0x37: {  	v4 =	vand.u32 $0x3F, v4  }
0x38: {  	v5 =	vld [tilespmem:s23+$0x10400];
	v4 =	vbroadcast v4, $0x0  }
0x39: {  	v6 =	vld [tilespmem:s23+$0x10600]  }
0x3a: {  	v8 =	vor.u32 v2, v4;
	v7 =	vld.idx.msk [tilespmem:v3+s15+$0x0], $0xffff  }
0x3b: {  	s31 =	simm.s32 $0x2;
	v9 =	vld.idx.msk [tilespmem:v3+s16+$0x0], $0xffff  }
0x3c: {  	v3 =	vmov s31  }
0x3d: {  	v3 =	vand.u32 $0x3F, v3  }
0x3e: {  	v4 =	vadd.f32 v5, v1;
	v5 =	vbroadcast v3, $0x0  }
0x3f: {  	v3 =	vld.idx.msk [tilespmem:v8+s15+$0x0], $0xffff  }
0x40: {  	s24 =	simm.s32 $0x3;
	v4 =	vadd.f32 v6, v4;
	v6 =	vor.u32 v2, v5;
	v5 =	vld.idx.msk [tilespmem:v8+s16+$0x0], $0xffff;
	v7 =	vmul.f32 v9, v7  }
.LBB2_3:
0x41: {  	p0 =	sne.s32 s24, $0x3F  }
.Ltmp0:
0x42: {  	v8 =	vmov s24;
	v4 =	vadd.f32 v7, v4;
	(pc) =	sbr.rel @p0 .LBB2_3-.Ltmp0, $4  }
0x43: {  	s24 =	sadd.s32 $0x1, s24;
	v9 =	vand.u32 $0x3F, v8  }
0x44: {  	v8 =	vbroadcast v9, $0x0  }
0x45: {  	v7 =	vmov v3;
	v3 =	vld.idx.msk [tilespmem:v6+s15+$0x0], $0xffff  }
0x46: {  	v7 =	vmul.f32 v5, v7;
	v5 =	vld.idx.msk [tilespmem:v6+s16+$0x0], $0xffff;
	v6 =	vor.u32 v2, v8  }
0x47: {  	_ =	sdelay $0x3  }
0x48: {  	v2 =	vld.idx.msk [tilespmem:v6+s15+$0x0], $0xffff  }
0x49: {  	v63 =	vld.idx.msk [tilespmem:v6+s16+$0x0], $0xffff;
	_ =	sdelay $0x2  }
0x4a: {  	s22 =	sadd.s32 $0x1, s22;
	v4 =	vadd.f32 v7, v4;
	v3 =	vmul.f32 v5, v3  }
0x4b: {  	p0 =	sne.s32 s22, $0x20  }
.Ltmp1:
0x4c: {  	v2 =	vmul.f32 v63, v2;
	v3 =	vadd.f32 v3, v4;
	(pc) =	sbr.rel @p0 .LBB2_2-.Ltmp1, $3  }
0x4d: {  	_ = 	snop  }
0x4e: {  	v2 =	vadd.f32 v2, v3;
	_ =	sdelay $0x1  }
0x4f: {  	[tilespmem:s23+$0x10810] =	vst v2  }
0x50: {  	s21 =	sadd.s32 $0x1, s21  }
0x51: {  	p0 =	sne.s32 s21, s11  }
.Ltmp2:
0x52: {  	_ = 	snop;
	(pc) =	sbr.rel @p0 .LBB2_1-.Ltmp2, $4  }
0x53: {  	[hbm4b:s10+s1] =	stream.linear.scatter [tilespmem:s20], [sflag:$0x2], $0x200, $0x38;
	[tilespmem:$0x10A10] =	vst v63  }
0x54: {  	_ =	swait.ge [sflag:s12], $0x200  }
0x55: {  	[sflag:s12] =	ssyncset.done $0x0  }
0x56: {  	[sflag:s12] =	ssyncadd.s32 $0xFFFFFE00  }
0x57: {  	_ =	sfence.sel $0x180000  }
0x58: {  	[bflag:$0x0] =	sbarrier.arrive $0xFFFF  }
0x59: {  	p0 =	sne.s32 s3, $0x0;
	_ =	strace $0x9000004A  }
0x5a: {  	s0 =	sadd.s32 @!p0 $0x100000, s0;
	[bflag:$0x2] =	sbarrier.arrive $0xFFFF  }
0x5b: {  	[sflag:s0] =	ssyncadd.tile.s32 @!p0 $0x1;
	_ =	shalt  }
.Lfunc_end2:
_tile_overlayer_lowered:
.L_overlay_start_2:
0x5c: {  	(tag) =	ssettag $0x2  }
0x5d: {  	s0 =	rddreg [dreg:$0x0];
	s2 =	stileid.u32  }
0x5e: {  	s1 =	rddreg [dreg:$0x1];
	p0 =	sne.s32 s2, $0x0  }
0x5f: {  	s3 =	rddreg [dreg:$0x2];
	[bflag:$0x3] =	sbarrier.arrive $0xFFFF;
	s2 =	simm.s32 @!p0 $0x1C02  }
0x60: {  	[timem:s3], [sflag:s2] =	dma.local @!p0 [hbm:s0], s1  }
0x61: {  	s0 =	simm.s32 @!p0 $0x2  }
0x62: {  	_ =	swait.ge @!p0 [sflag:s0], s1  }
0x63: {  	s1 =	ssub.s32 @!p0 $0x0, s1;
	[sflag:s0] =	ssyncset.done @!p0 $0x0  }
0x64: {  	[sflag:s0] =	ssyncadd.s32 @!p0 s1  }
0x65: {  	[bflag:$0x3] =	sbarrier.arrive $0xFFFF  }
0x66: {  	_ =	shalt  }

// kernel: sparse-core-data-format-call.cloned.1.call-start
scs
called_computation_lowered:
.L_overlay_start_0:
0x0: {  	s2 =	sld [smem:$0x3FD9]  }
0x1: {  	s3 =	sld [smem:$0x3FFE];
	_ =	sdelay $0x1  }
0x2: {  	s1 =	srdreg.scid  }
0x3: {  	s0 =	sand.u32 $0x1, s1  }
0x4: {  	s18 =	sshll.u32 s0, $0xA;
	s2 =	sadd.s32 s3, s2  }
0x5: {  	s2 =	sadd.s32 s2, s18  }
0x6: {  	[smem:$0x3FC1] =	sst s2  }
0x7: {  	_ = 	snop  }
0x8: {  	s2 =	sld [smem:$0x3FC7];
	(tm) =	ssettm $0x1  }
0x9: {  	s19 =	sld [smem:$0x3FFB];
	_ =	sdelay $0x3  }
0xa: {  	_ =	strace s19  }
0xb: {  	s3 =	sld [smem:$0x3FFC];
	_ =	sdelay $0x3  }
0xc: {  	_ =	strace s3  }
0xd: {  	s3 =	sld [smem:$0x3FFD];
	_ =	sdelay $0x3  }
0xe: {  	_ =	strace s3  }
0xf: {  	_ =	strace $0x8FFFFFFF  }
0x10: {  	s20 =	sld [smem:$0x3FDB];
	_ =	sdelay $0x1  }
0x11: {  	s4 =	simm.s32 $_scs_section_size  }
0x12: {  	s5 =	simm.s32 $_size__tile_overlayer_lowered;
	s6 =	simm.s32 $_tile_overlayer_lowered  }
0x13: {  	s23 =	simm.s32 $0x1BFF;
	s22 =	sshll.u32 s6, $0x1;
	s3 =	sadd.s32 s4, s20  }
0x14: {  	s7 =	simm.s32 $0x0;
	s21 =	sshll.u32 s5, $0x1;
	s5 =	sadd.s32 s22, s3  }
0x15: {  	[timem:s7], [sflag:s23] =	dma.local [hbm:s5], s21  }
0x16: {  	_ =	swait.ge [sflag:s23], s21  }
0x17: {  	s4 =	ssub.s32 $0x0, s21;
	[sflag:s23] =	ssyncset.done $0x0  }
0x18: {  	[sflag:s23] =	ssyncadd.s32 s4;
	_ =	sdelay $0x1  }
0x19: {  	s24 =	simm.s32 $0x1B8B  }
0x1a: {  	_ =	swait.ge [sflag:s24], $0x1  }
0x1b: {  	[sflag:s24] =	ssyncset.done $0x0  }
0x1c: {  	s26 =	simm.s32 $0x1B8E;
	s25 =	sld [smem:$0x3FFE];
	[sflag:s24] =	ssyncadd.s32 $0xFFFFFFFF  }
0x1d: {  	s27 =	simm.s32 $execute0_lowered;
	[smem:$0x3FD2] =	sst s26  }
0x1e: {  	s5 =	sshll.u32 s27, $0x1;
	_ =	strace $0x80000046;
	[dreg:$0x1] =	wrdreg $0xFFFFFFFF  }
0x1f: {  	s28 =	simm.s32 $_size_execute0_lowered;
	s3 =	sadd.s32 s3, s5;
	[dreg:$0x0] =	wrdreg $0x0  }
0x20: {  	s5 =	sshll.u32 s28, $0x1;
	[dreg:$0x2] =	wrdreg s3  }
0x21: {  	[dreg:$0x3] =	wrdreg s5  }
0x22: {  	[dreg:$0x4] =	wrdreg $0xC0  }
0x23: {  	_ =	task [dreg:s7], $0x5FFFF  }
0x24: {  	[dreg:$0x1] =	wrdreg $0xFFFFFFFF  }
0x25: {  	[dreg:$0x0] =	wrdreg $0x60  }
0x26: {  	[dreg:$0x2] =	wrdreg s2  }
0x27: {  	[dreg:$0x3] =	wrdreg s25  }
0x28: {  	[dreg:$0x4] =	wrdreg $0x9  }
0x29: {  	_ =	task.clear_ibuf [dreg:s7], $0x5FFFF;
	_ =	strace $0x90000046  }
0x2a: {  	s29 =	simm.s32 $0x9;
	_ =	strace $0x80000048  }
0x2b: {  	_ =	swait.ge [sflag:s29], $0x1  }
0x2c: {  	[sflag:s29] =	ssyncadd.s32 $0xFFFFFFFF  }
0x2d: {  	_ =	strace $0x90000048  }
0x2e: {  	_ =	sfence  }
0x2f: {  	s30 =	sld [smem:$0x0];
	_ =	sdelay $0x2  }
0x30: {  	s31 =	sshll.u32 s1, $0xD;
	s1 =	sshrl.u32 s1, $0x2  }
0x31: {  	s3 =	sand.u32 $0x4000, s31;
	s1 =	sadd.s32 s1, s30  }
0x32: {  	s0 =	sor.u32 s3, s0;
	s1 =	sshll.u32 s1, $0x11  }
0x33: {  	s0 =	sor.u32 s1, s0  }
0x34: {  	s0 =	sadd.s32 $0x8F2B, s0  }
0x35: {  	[sflag:s0] =	ssyncadd.remote.s32 $0x1  }
0x36: {  	_ =	sfence.sel $0xFFFF  }
0x37: {  	[dreg:$0x0] =	wrdreg $0xFFFFFFFF;
	(pc) =	sbr.abs _section_cstart, $3  }
0x38: {  	[dreg:$0x1] =	wrdreg $0xFFFFFFFF  }
0x39: {  	_ =	task.clear_ibuf [dreg:s7], $0x2FFFF;
	_ =	strace $0x9FFFFFFF  }
0x3a: {  	(tm) =	ssettm $0x7FFFFFFF  }
0x3b: {  	_ =	shalt  }
tec
execute0_lowered:
.L_overlay_start_1:
0x0: {  	(tag) =	ssettag $0x1  }
0x1: {  	s0 =	srdreg.scid;
	s2 =	rddreg [dreg:$0x0]  }
0x2: {  	s5 =	rddreg [dreg:$0x1];
	s1 =	stileid.u32  }
0x3: {  	s4 =	simm.s32 $0x1;
	s6 =	simm.s32 $0x2;
	s15 =	simm.s32 $0x0  }
0x4: {  	p0 =	por $0x0, $0x0;
	s8 =	simm.s32 $0x80;
	s0 =	sshll.u32 s0, $0x4  }
0x5: {  	s14 =	simm.s32 $0x0;
	s9 =	simm.s32 $0x0;
	s3 =	sand.u32 $0x10, s0  }
.Ltmp0:
0x6: {  	s10 =	simm.s32 $0x0;
	s3 =	sor.u32 s1, s3;
	(pc) =	sbr.rel .LBB1_1-.Ltmp0, $4  }
0x7: {  	s0 =	rddreg [dreg:$0x2];
	_ =	strace $0x80000047;
	s3 =	sshll.u32 s3, $0x7  }
0x8: {  	s12 =	simm.s32 $0x0;
	[sflag:s4] =	ssyncpa.u1 $0x0;
	s7 =	ssub.s32 $0xF4200, s3  }
0x9: {  	s13 =	simm.s32 $0x0;
	[sflag:s6] =	ssyncpa.u1 $0x0;
	s6 =	sshrl.u32 s7, $0xC  }
0xa: {  	s5 =	sadd.s32 $0x400, s5;
	s11 =	smov.u32 s3;
	s7 =	sadd.s32 $0x2, s6  }
.LBB1_5:
0xb: {  	p1 =	slt.u32 s13, $0x2  }
0xc: {  	s17 =	smov.u32 s15;
	p2 =	sgt.s32 @!p1 s15, $0xF41C0;
	s16 =	sshra.s32 @!p1 s15, $0x1F  }
0xd: {  	p3 =	sgt.s32 @!p1 s14, $0x40;
	s18 =	sshra.s32 @!p1 s14, $0x1F;
	p2 =	por !p2, p1  }
0xe: {  	s15 =	sand.u32 @!p1 s16, s15;
	p3 =	por !p3, p1;
	s16 =	smov.u32 s14  }
0xf: {  	s14 =	sand.u32 @!p1 s18, s14;
	s17 =	simm.s32 @p2 $0xF41C0;
	s16 =	simm.s32 @p3 $0x40  }
0x10: {  	s15 =	ssub.s32 @!p1 s17, s15;
	s14 =	ssub.s32 @!p1 s16, s14  }
0x11: {  	s18 =	smov.u32 s12;
	s16 =	sadd.s32 @!p1 $0xFFF0BE40, s15;
	s17 =	sadd.s32 @!p1 $0xFFFFFFC0, s14  }
0x12: {  	s15 =	ssub.s32 @!p1 $0xF4240, s15;
	p2 =	sgt.s32 @!p1 s16, $0x7F;
	p3 =	sgt.s32 @!p1 s17, $0x3F  }
0x13: {  	s14 =	ssub.s32 @!p1 $0x80, s14;
	p2 =	por !p2, p1;
	p3 =	por !p3, p1  }
0x14: {  	s16 =	sadd.s32 $0x1000, s11;
	s15 =	simm.s32 @!p2 $0x0;
	s14 =	simm.s32 @!p3 $0x0  }
0x15: {  	p2 =	sgt.s32 s16, $0xF423F;
	s14 =	smul.u32 @!p1 s14, s15;
	s15 =	sadd.s32 $0x40, s12  }
0x16: {  	s18 =	smov.u32 @p2 s15  }
0x17: {  	s16 =	smov.u32 @p2 s3;
	p2 =	sgt.s32 s18, $0x3F  }
0x18: {  	s18 =	simm.s32 @p2 $0x0;
	p2 =	sne.s32 s13, s7  }
.Ltmp1:
0x19: {  	p0 =	por !p0, !p0;
	s17 =	simm.s32 @!p1 $0x2;
	(pc) =	sbr.rel @!p2 .LBB1_6-.Ltmp1, $4  }
0x1a: {  	s15 =	smov.u32 s9;
	s9 =	smov.u32 s11;
	s14 =	sand.u32 @!p1 $0x3FFFFFFF, s14  }
0x1b: {  	s11 =	smov.u32 s16;
	_ =	swait.ge @!p1 [sflag:s17], s14;
	s19 =	ssub.s32 @!p1 $0x0, s14  }
0x1c: {  	s14 =	smov.u32 s10;
	s13 =	sadd.s32 $0x1, s13;
	[sflag:s17] =	ssyncset.done @!p1 $0x0  }
0x1d: {  	s10 =	smov.u32 s12;
	s12 =	smov.u32 s18;
	[sflag:s17] =	ssyncadd.s32 @!p1 s19  }
.LBB1_1:
0x1e: {  	p1 =	sgt.u32 s13, s6  }
0x1f: {  	s16 =	sshrl.u32 @!p1 s12, $0x3  }
0x20: {  	s17 =	sshll.u32 @!p1 s11, $0x3;
	s16 =	smul.u32 @!p1 $0x7A1400, s16  }
0x21: {  	s18 =	sshll.u32 @!p1 s12, $0x7;
	s17 =	sand.u32 @!p1 $0xFFFFFC00, s17  }
0x22: {  	s16 =	sadd.s32 @!p1 s16, s17;
	s17 =	sand.u32 @!p1 $0x380, s18  }
0x23: {  	s18 =	sand.u32 @!p1 $0x7F, s11;
	s16 =	sor.u32 @!p1 s17, s16  }
0x24: {  	s17 =	sor.u32 @!p1 s18, s16  }
0x25: {  	s18 =	smulhi.u32 @!p1 $0x218D6287, s17;
	_ =	sdelay $0x1  }
0x26: {  	s16 =	smulhi.u32 @!p1 $0x218D6287, s16;
	s18 =	sshrl.u32 @!p1 s18, $0x11  }
0x27: {  	s18 =	smul.u32 @!p1 $0xF4280, s18  }
0x28: {  	s19 =	sxor.u32 @!p1 $0xFFFFFFFF, s13;
	s16 =	sshrl.u32 @!p1 s16, $0x11  }
0x29: {  	s19 =	sshll.u32 @!p1 s19, $0xD;
	s16 =	sand.u32 @!p1 $0x3F, s16;
	s17 =	ssub.s32 @!p1 s17, s18  }
0x2a: {  	s16 =	smul.u32 @!p1 $0x1E850, s16;
	s18 =	sshrl.u32 @!p1 s17, $0x3;
	s17 =	sand.u32 @!p1 $0x7, s17  }
0x2b: {  	s19 =	sand.u32 @!p1 $0x2000, s19;
	s18 =	sadd.s32 @!p1 s2, s18;
	s17 =	sshll.u32 @!p1 s17, $0x12  }
0x2c: {  	s16 =	sadd.s32 @!p1 s16, s18;
	s17 =	sor.u32 @!p1 $0x400, s17;
	s18 =	simm.s32 @!p1 $0x7A1400  }
0x2d: {  	[tilespmem:s19], [sflag:$0x1] =	stream.strided.gather @!p1 [hbm4b:s16+s17], $0x2000, s18, s17, $0x38;
	[tilespmem:$0x8100] =	vst v63  }
0x2e: {  	p1 =	seq.s32 s13, $0x0  }
0x2f: {  	p2 =	sge.u32 @!p1 s13, s7  }
0x30: {  	p1 =	por p1, p2  }
.Ltmp2:
0x31: {  	_ = 	snop;
	(pc) =	sbr.rel @p1 .LBB1_5-.Ltmp2, $1  }
0x32: {  	_ =	sdelay $0x3  }
0x33: {  	s16 =	simm.s32 $0x1  }
0x34: {  	_ =	swait.ge [sflag:s4], $0x2000;
	s16 =	simm.s32 @!p0 $0x0  }
0x35: {  	[sflag:s4] =	ssyncset.done $0x0;
	s17 =	sshll.u32 s16, $0xD  }
0x36: {  	[sflag:s4] =	ssyncadd.s32 $0xFFFFE000;
	s17 =	sor.u32 $0x40, s17  }
0x37: {  	s16 =	smul.u32 $0x8200, s16;
	v0 =	vld [tilespmem:s17+$0x30]  }
0x38: {  	v1 =	vld [tilespmem:s17+$0xFFFFFFD0]  }
0x39: {  	s16 =	sshrl.u32 s16, $0x2;
	v5 =	vld [tilespmem:s17+$0xFFFFFFE0]  }
0x3a: {  	v6 =	vld [tilespmem:s17+$0xFFFFFFF0];
	s19 =	sor.u32 $0x4000, s16  }
0x3b: {  	s31 =	sand.u32 $0x1, s13;
	v4 =	vld [tilespmem:s17+$0x0];
	s18 =	sadd.s32 $0x0, s19  }
0x3c: {  	v3 =	vld [tilespmem:s17+$0x10];
	s16 =	smul.u32 $0x8200, s31;
	[tilespmem:s18+$0x1C70 ss:$0x41] =	vst.msk $0xffff, v0  }
0x3d: {  	v2 =	vld [tilespmem:s17+$0x20];
	[tilespmem:s18+$0x410 ss:$0x41] =	vst.msk $0xffff, v1  }
0x3e: {  	s16 =	sshrl.u32 s16, $0x2;
	v1 =	vld [tilespmem:s17+$0xFFFFFFC0];
	[tilespmem:s18+$0x820 ss:$0x41] =	vst.msk $0xffff, v5;
	s17 =	sadd.s32 $0x80, s17  }
0x3f: {  	s20 =	simm.s32 $0x4;
	s21 =	simm.s32 $0x8;
	s16 =	sor.u32 $0x4000, s16;
	[tilespmem:s18+$0xC30 ss:$0x41] =	vst.msk $0xffff, v6;
	v0 =	vld [tilespmem:s17+$0x30]  }
.LBB1_3:
0x40: {  	p1 =	sne.s32 s21, $0xFC;
	v5 =	vld [tilespmem:s17+$0xFFFFFFD0];
	[tilespmem:s18+$0x1040 ss:$0x41] =	vst.msk $0xffff, v4  }
0x41: {  	v6 =	vld [tilespmem:s17+$0xFFFFFFE0];
	[tilespmem:s18+$0x1450 ss:$0x41] =	vst.msk $0xffff, v3  }
0x42: {  	s22 =	sshra.s32 s20, $0x2;
	s20 =	smov.u32 s21;
	v7 =	vld [tilespmem:s17+$0xFFFFFFF0];
	[tilespmem:s18+$0x1860 ss:$0x41] =	vst.msk $0xffff, v2  }
.Ltmp3:
0x43: {  	v4 =	vld [tilespmem:s17+$0x0];
	[tilespmem:s18+$0x0 ss:$0x41] =	vst.msk $0xffff, v1;
	s18 =	sadd.s32 s22, s19;
	(pc) =	sbr.rel @p1 .LBB1_3-.Ltmp3, $4  }
0x44: {  	v3 =	vld [tilespmem:s17+$0x10];
	[tilespmem:s18+$0x1C70 ss:$0x41] =	vst.msk $0xffff, v0  }
0x45: {  	[tilespmem:s18+$0x410 ss:$0x41] =	vst.msk $0xffff, v5;
	v2 =	vld [tilespmem:s17+$0x20]  }
0x46: {  	v1 =	vld [tilespmem:s17+$0xFFFFFFC0];
	[tilespmem:s18+$0x820 ss:$0x41] =	vst.msk $0xffff, v6;
	s17 =	sadd.s32 $0x80, s17  }
0x47: {  	s21 =	sadd.s32 $0x4, s21;
	v0 =	vld [tilespmem:s17+$0x30];
	[tilespmem:s18+$0xC30 ss:$0x41] =	vst.msk $0xffff, v7  }
0x48: {  	s21 =	sshll.u32 s9, $0x7;
	s22 =	sshll.u32 s10, $0x3;
	s20 =	sshra.s32 s20, $0x2  }
0x49: {  	p1 =	sgt.s32 s9, $0xF41C0;
	s30 =	sshra.s32 s9, $0x1F;
	s25 =	sshra.s32 s10, $0x1F  }
0x4a: {  	v5 =	vld [tilespmem:s17+$0xFFFFFFD0];
	s28 =	sshrl.u32 s10, $0x3;
	s23 =	sand.u32 $0xFFFFFC00, s21;
	s22 =	sand.u32 $0xFFFFFC00, s22  }
0x4b: {  	[tilespmem:s18+$0x1040 ss:$0x41] =	vst.msk $0xffff, v4;
	v58 =	vld [tilespmem:s17+$0xFFFFFFE0];
	s21 =	sand.u32 $0x380, s21;
	s19 =	sadd.s32 s20, s19;
	s22 =	sadd.s32 s22, s23  }
0x4c: {  	v59 =	vld [tilespmem:s17+$0xFFFFFFF0];
	[tilespmem:s18+$0x1450 ss:$0x41] =	vst.msk $0xffff, v3;
	s29 =	sor.u32 s21, s22;
	s21 =	smov.u32 s9;
	s22 =	sand.u32 s30, s9  }
0x4d: {  	v60 =	vld [tilespmem:s17+$0x0];
	[tilespmem:s18+$0x1860 ss:$0x41] =	vst.msk $0xffff, v2;
	s30 =	sand.u32 $0x7, s10;
	s20 =	sshrl.u32 s29, $0x7;
	s21 =	simm.s32 @!p1 $0xF41C0  }
0x4e: {  	v61 =	vld [tilespmem:s17+$0x10];
	[tilespmem:s18+$0x0 ss:$0x41] =	vst.msk $0xffff, v1;
	p1 =	sgt.s32 s10, $0x40;
	s24 =	ssub.s32 s21, s22;
	s21 =	smov.u32 s10  }
0x4f: {  	v62 =	vld [tilespmem:s17+$0x20];
	[tilespmem:s19+$0x1C70 ss:$0x41] =	vst.msk $0xffff, v0;
	s31 =	smulhi.u32 $0x218DEF5, s20;
	s22 =	sand.u32 s25, s10;
	s21 =	simm.s32 @!p1 $0x40  }
0x50: {  	v63 =	vld [tilespmem:s17+$0xFFFFFFC0];
	[tilespmem:s19+$0x410 ss:$0x41] =	vst.msk $0xffff, v5;
	s26 =	sadd.s32 $0xFFF0BE40, s24;
	s17 =	ssub.s32 $0xF4240, s24;
	s21 =	ssub.s32 s21, s22  }
0x51: {  	[tilespmem:s19+$0x820 ss:$0x41] =	vst.msk $0xffff, v58;
	s23 =	sshrl.u32 s31, $0xD;
	p1 =	sgt.s32 s26, $0x7F;
	s27 =	sadd.s32 $0xFFFFFFC0, s21  }
0x52: {  	[tilespmem:s19+$0xC30 ss:$0x41] =	vst.msk $0xffff, v59;
	s23 =	smul.u32 $0xF4240, s23;
	s18 =	ssub.s32 $0x80, s21;
	p2 =	sgt.s32 s27, $0x3F  }
.Ltmp4:
0x53: {  	[tilespmem:s19+$0x1040 ss:$0x41] =	vst.msk $0xffff, v60;
	s17 =	simm.s32 @p1 $0x0;
	s18 =	simm.s32 @p2 $0x0;
	(pc) =	sbr.rel .LBB1_5-.Ltmp4, $4  }
0x54: {  	s29 =	sand.u32 $0xF, s28;
	[tilespmem:s19+$0x1450 ss:$0x41] =	vst.msk $0xffff, v61;
	s20 =	ssub.s32 s20, s23;
	s17 =	smul.u32 s18, s17  }
0x55: {  	[tilespmem:s19+$0x1860 ss:$0x41] =	vst.msk $0xffff, v62;
	s21 =	sshll.u32 s30, $0x12;
	s20 =	sshll.u32 s20, $0x4;
	s18 =	sadd.s32 s5, s29  }
0x56: {  	[tilespmem:s19+$0x0 ss:$0x41] =	vst.msk $0xffff, v63;
	s31 =	sor.u32 $0x40, s21;
	s18 =	sadd.s32 s20, s18;
	s17 =	sand.u32 $0x3FFFFFFF, s17  }
0x57: {  	[hbm4b:s18+s31] =	stream.strided.scatter [tilespmem:s16], [sflag:$0x2], s17, s8, s31, $0x18;
	[tilespmem:$0x8100] =	vst v63  }
.LBB1_6:
0x58: {  	_ =	sfence.sel $0x180000  }
0x59: {  	s2 =	simm.s32 $0x1;
	[bflag:$0x0] =	sbarrier.arrive $0xFFFF  }
0x5a: {  	s31 =	simm.s32 $0x2;
	[sflag:s2] =	ssyncpa.u1 $0x1  }
0x5b: {  	[sflag:s31] =	ssyncpa.u1 $0x1  }
0x5c: {  	p0 =	sne.s32 s1, $0x0;
	_ =	strace $0x90000047  }
0x5d: {  	s0 =	sadd.s32 @!p0 $0x100000, s0;
	[bflag:$0x2] =	sbarrier.arrive $0xFFFF  }
0x5e: {  	[sflag:s0] =	ssyncadd.tile.s32 @!p0 $0x1;
	_ =	shalt  }
.Lfunc_end1:
_tile_overlayer_lowered:
.L_overlay_start_2:
0x5f: {  	(tag) =	ssettag $0x2  }
0x60: {  	s0 =	rddreg [dreg:$0x0];
	s2 =	stileid.u32  }
0x61: {  	s1 =	rddreg [dreg:$0x1];
	p0 =	sne.s32 s2, $0x0  }
0x62: {  	s3 =	rddreg [dreg:$0x2];
	[bflag:$0x3] =	sbarrier.arrive $0xFFFF;
	s2 =	simm.s32 @!p0 $0x1C01  }
0x63: {  	[timem:s3], [sflag:s2] =	dma.local @!p0 [hbm:s0], s1  }
0x64: {  	s0 =	simm.s32 @!p0 $0x1  }
0x65: {  	_ =	swait.ge @!p0 [sflag:s0], s1  }
0x66: {  	s1 =	ssub.s32 @!p0 $0x0, s1;
	[sflag:s0] =	ssyncset.done @!p0 $0x0  }
0x67: {  	[sflag:s0] =	ssyncadd.s32 @!p0 s1  }
0x68: {  	[bflag:$0x3] =	sbarrier.arrive $0xFFFF  }
0x69: {  	_ =	shalt  }

</sc_bundles>
